<compile_context>
chip_gen: v7x
topology: tpu7x:2x2x1
jax: 0.10.2.dev20260603
libtpu: 0.0.44.dev20260713+nightly
codegen_flags: <defaults>
</compile_context>

<pallas_src>
import functools

import jax
import jax.numpy as jnp
from jax import lax
from jax.experimental import pallas as pl
from jax.experimental.pallas import tpu as pltpu
from jax.experimental.pallas import tpu_sc as plsc

_DIM = 2048
_NE = 8
_K = 2
_T = 32768
_BT = 2048

_NC = 2
_NS = 16
_NW = _NC * _NS
_CHUNK = _T // _NW
_L = 16


def _tc_scores_body(w_ref, x_ref, o_ref):
    o_ref[...] = lax.dot_general(
        w_ref[...], x_ref[...],
        (((1,), (1,)), ((), ())),
        preferred_element_type=jnp.float32,
    )


def _tc_scores(x, W):
    return pl.pallas_call(
        _tc_scores_body,
        grid=(_T // _BT,),
        in_specs=[
            pl.BlockSpec((_NE, _DIM), lambda i: (0, 0)),
            pl.BlockSpec((_BT, _DIM), lambda i: (i, 0)),
        ],
        out_specs=pl.BlockSpec((_NE, _BT), lambda i: (0, i)),
        out_shape=jax.ShapeDtypeStruct((_NE, _T), jnp.float32),
    )(W, x)


@functools.partial(
    pl.kernel,
    mesh=plsc.VectorSubcoreMesh(core_axis_name="c", subcore_axis_name="s"),
    out_type=[
        jax.ShapeDtypeStruct((_T,), jnp.int32),
        jax.ShapeDtypeStruct((_T,), jnp.int32),
        jax.ShapeDtypeStruct((_T,), jnp.float32),
        jax.ShapeDtypeStruct((_T,), jnp.float32),
    ],
    scratch_types=[
        pltpu.VMEM((_NE, _CHUNK), jnp.float32),
        pltpu.VMEM((_CHUNK,), jnp.int32),
        pltpu.VMEM((_CHUNK,), jnp.int32),
        pltpu.VMEM((_CHUNK,), jnp.float32),
        pltpu.VMEM((_CHUNK,), jnp.float32),
    ],
)
def _sc_route(scores_hbm, i1_hbm, i2_hbm, w1_hbm, w2_hbm,
              s_v, i1_v, i2_v, w1_v, w2_v):
    wid = lax.axis_index("s") * _NC + lax.axis_index("c")
    base = wid * _CHUNK
    pltpu.sync_copy(scores_hbm.at[:, pl.ds(base, _CHUNK)], s_v)

    neg_inf = jnp.full((_L,), -jnp.inf, jnp.float32)

    def body(i, carry):
        off = i * _L
        s = [s_v[k, pl.ds(off, _L)] for k in range(_NE)]
        m1 = s[0]
        for k in range(1, _NE):
            m1 = jnp.maximum(m1, s[k])
        i1 = jnp.full((_L,), _NE - 1, jnp.int32)
        for k in range(_NE - 2, -1, -1):
            i1 = jnp.where(s[k] == m1, jnp.full((_L,), k, jnp.int32), i1)
        s2 = [jnp.where(i1 == k, neg_inf, s[k]) for k in range(_NE)]
        m2 = s2[0]
        for k in range(1, _NE):
            m2 = jnp.maximum(m2, s2[k])
        i2 = jnp.full((_L,), _NE - 1, jnp.int32)
        for k in range(_NE - 2, -1, -1):
            i2 = jnp.where(s2[k] == m2, jnp.full((_L,), k, jnp.int32), i2)
        i1_v[pl.ds(off, _L)] = i1
        i2_v[pl.ds(off, _L)] = i2
        w1_v[pl.ds(off, _L)] = m1
        w2_v[pl.ds(off, _L)] = m2
        return carry

    lax.fori_loop(0, _CHUNK // _L, body, 0)
    pltpu.sync_copy(i1_v, i1_hbm.at[pl.ds(base, _CHUNK)])
    pltpu.sync_copy(i2_v, i2_hbm.at[pl.ds(base, _CHUNK)])
    pltpu.sync_copy(w1_v, w1_hbm.at[pl.ds(base, _CHUNK)])
    pltpu.sync_copy(w2_v, w2_hbm.at[pl.ds(base, _CHUNK)])


def kernel(x, W):
    scores_t = _tc_scores(x, W)
    i1, i2, w1, w2 = _sc_route(scores_t)
    return jnp.stack([i1, i2], axis=1), jnp.stack([w1, w2], axis=1)

# --- scband reference (transcript-rebuilt; emitter-appended) ---
"""Pipeline reference for scband-gate-12103217840540 (READ-ONLY COPY).

The authoritative reference and input builder live on the scoring server;
editing this copy changes nothing except your own understanding.
"""

import jax, jax.numpy as jnp
import numpy as np

DIM = 2048
N_EXPERTS = 8
TOP_K = 2
ROUTE_SCALE = 1.0
T = 32768


def setup_inputs(seed: int = 0) -> dict:
    key = jax.random.key(seed)
    kx, kw = jax.random.split(key)
    x = jax.random.normal(kx, (T, DIM), dtype=jnp.float32)
    # router weight, torch Linear layout: [out_features, in_features]
    W = jax.random.normal(kw, (N_EXPERTS, DIM), dtype=jnp.float32) * (1.0 / np.sqrt(DIM))
    return {"x": x, "W": W}


def reference(x, W):
    # scores = F.linear(x, W)  (no bias)
    scores = jnp.dot(x, W.T)
    original_scores = scores
    # softmax in float32
    probs = jax.nn.softmax(scores.astype(jnp.float32), axis=-1)
    # top-k over softmax scores, take indices
    _, indices = jax.lax.top_k(probs, TOP_K)
    # gather weights from ORIGINAL (pre-softmax) scores, as in the torch module
    weights = jnp.take_along_axis(original_scores, indices, axis=-1)
    weights = weights * ROUTE_SCALE
    return (indices, weights)

if __name__ == "__main__":
    import jax
    _d = setup_inputs()
    print(jax.jit(kernel)(*tuple(_d.values())))

</pallas_src>

<mosaic_0001>
#map = affine_map<(d0, d1) -> (0, 0)>
#map1 = affine_map<(d0, d1) -> (0)>
module attributes {stable_mosaic.version = 14 : i64} {
  func.func @_sc_route(%arg0: i32, %arg1: i32, %arg2: memref<8x32768xf32, #tpu.memory_space<hbm>>, %arg3: memref<32768xi32, #tpu.memory_space<hbm>>, %arg4: memref<32768xi32, #tpu.memory_space<hbm>>, %arg5: memref<32768xf32, #tpu.memory_space<hbm>>, %arg6: memref<32768xf32, #tpu.memory_space<hbm>>, %arg7: memref<8x1024xf32, #tpu.memory_space<vmem>>, %arg8: memref<1024xi32, #tpu.memory_space<vmem>>, %arg9: memref<1024xi32, #tpu.memory_space<vmem>>, %arg10: memref<1024xf32, #tpu.memory_space<vmem>>, %arg11: memref<1024xf32, #tpu.memory_space<vmem>>) attributes {dimension_semantics = [#tpu.dimension_semantics<core_parallel>, #tpu.dimension_semantics<subcore_parallel>], iteration_bounds = array<i64: 2, 16>, scalar_prefetch = 0 : i64, scratch_operands = 5 : i64, tpu.core_type = #tpu.core_type<sc_vector_subcore>, window_params = [{transform_indices = #map}, {transform_indices = #map1}, {transform_indices = #map1}, {transform_indices = #map1}, {transform_indices = #map1}]} {
    %mul3A = arith.constant 2 : i32
    %mul3A_0 = arith.muli %arg1, %mul3A : i32
    %add3A = arith.addi %mul3A_0, %arg0 : i32
    %mul3A_1 = arith.constant 1024 : i32
    %mul3A_2 = arith.muli %add3A, %mul3A_1 : i32
    "tpu.region"() ({
      %run_scoped3A = tpu.sem_alloc : memref<!tpu.dma_semaphore, #tpu.memory_space<semaphore_mem>>
      %dma_start3A = arith.constant 0 : i32
      %dma_start3A_9 = tpu.memref_slice %arg2[%dma_start3A, %mul3A_2] : memref<8x32768xf32, #tpu.memory_space<hbm>> -> memref<8x1024xf32, #tpu.memory_space<hbm>>
      %dma_start3A_10 = arith.constant 0 : i32
      %dma_start3A_11 = tpu.memref_slice %arg2[%dma_start3A_10, %mul3A_2] : memref<8x32768xf32, #tpu.memory_space<hbm>> -> memref<8x1024xf32, #tpu.memory_space<hbm>>
      tpu.enqueue_dma source(%dma_start3A_11 : memref<8x1024xf32, #tpu.memory_space<hbm>>) target(%arg7 : memref<8x1024xf32, #tpu.memory_space<vmem>>) target_semaphore(%run_scoped3A : memref<!tpu.dma_semaphore, #tpu.memory_space<semaphore_mem>>)
      %dma_wait3A = arith.constant 0 : i32
      %dma_wait3A_12 = tpu.memref_slice %arg2[%dma_wait3A, %mul3A_2] : memref<8x32768xf32, #tpu.memory_space<hbm>> -> memref<8x1024xf32, #tpu.memory_space<hbm>>
      %dma_wait3A_13 = arith.constant 0 : i32
      %dma_wait3A_14 = tpu.memref_slice %arg2[%dma_wait3A_13, %mul3A_2] : memref<8x32768xf32, #tpu.memory_space<hbm>> -> memref<8x1024xf32, #tpu.memory_space<hbm>>
      tpu.wait_dma2 semaphore(%run_scoped3A : memref<!tpu.dma_semaphore, #tpu.memory_space<semaphore_mem>>) src(%dma_wait3A_14 : memref<8x1024xf32, #tpu.memory_space<hbm>>) dst(%arg7 : memref<8x1024xf32, #tpu.memory_space<vmem>>)
      tpu.yield
    }) : () -> ()
    %broadcast_in_dim3A = arith.constant 0xFF800000 : f32
    %broadcast_in_dim3A_3 = vector.broadcast %broadcast_in_dim3A : f32 to vector<16xf32>
    %scan3A = arith.constant 0 : i32
    %scan3A_4 = arith.constant 0 : i32
    %scan3A_5 = arith.constant 64 : i32
    %scan3A_6 = arith.addi %scan3A_4, %scan3A_5 : i32
    %scan3A_7 = arith.constant 1 : i32
    scf.for %scan3A_9 = %scan3A_4 to %scan3A_6 step %scan3A_7  : i32 {
      %mul3A_10 = arith.constant 16 : i32
      %mul3A_11 = arith.muli %scan3A_9, %mul3A_10 : i32
      %get3A = arith.constant 0 : i32
      %get3A_12 = arith.index_cast %get3A : i32 to index
      %get3A_13 = arith.index_cast %mul3A_11 : i32 to index
      %get3A_14 = tpu.vector_load %arg7[%get3A_12, %get3A_13] {strides = array<i32>} : memref<8x1024xf32, #tpu.memory_space<vmem>>, vector<1x16xf32>,
      %get3A_15 = vector.shape_cast %get3A_14 : vector<1x16xf32> to vector<16xf32>
      %get3A_16 = arith.constant 1 : i32
      %get3A_17 = arith.index_cast %get3A_16 : i32 to index
      %get3A_18 = arith.index_cast %mul3A_11 : i32 to index
      %get3A_19 = tpu.vector_load %arg7[%get3A_17, %get3A_18] {strides = array<i32>} : memref<8x1024xf32, #tpu.memory_space<vmem>>, vector<1x16xf32>,
      %get3A_20 = vector.shape_cast %get3A_19 : vector<1x16xf32> to vector<16xf32>
      %get3A_21 = arith.constant 2 : i32
      %get3A_22 = arith.index_cast %get3A_21 : i32 to index
      %get3A_23 = arith.index_cast %mul3A_11 : i32 to index
      %get3A_24 = tpu.vector_load %arg7[%get3A_22, %get3A_23] {strides = array<i32>} : memref<8x1024xf32, #tpu.memory_space<vmem>>, vector<1x16xf32>,
      %get3A_25 = vector.shape_cast %get3A_24 : vector<1x16xf32> to vector<16xf32>
      %get3A_26 = arith.constant 3 : i32
      %get3A_27 = arith.index_cast %get3A_26 : i32 to index
      %get3A_28 = arith.index_cast %mul3A_11 : i32 to index
      %get3A_29 = tpu.vector_load %arg7[%get3A_27, %get3A_28] {strides = array<i32>} : memref<8x1024xf32, #tpu.memory_space<vmem>>, vector<1x16xf32>,
      %get3A_30 = vector.shape_cast %get3A_29 : vector<1x16xf32> to vector<16xf32>
      %get3A_31 = arith.constant 4 : i32
      %get3A_32 = arith.index_cast %get3A_31 : i32 to index
      %get3A_33 = arith.index_cast %mul3A_11 : i32 to index
      %get3A_34 = tpu.vector_load %arg7[%get3A_32, %get3A_33] {strides = array<i32>} : memref<8x1024xf32, #tpu.memory_space<vmem>>, vector<1x16xf32>,
      %get3A_35 = vector.shape_cast %get3A_34 : vector<1x16xf32> to vector<16xf32>
      %get3A_36 = arith.constant 5 : i32
      %get3A_37 = arith.index_cast %get3A_36 : i32 to index
      %get3A_38 = arith.index_cast %mul3A_11 : i32 to index
      %get3A_39 = tpu.vector_load %arg7[%get3A_37, %get3A_38] {strides = array<i32>} : memref<8x1024xf32, #tpu.memory_space<vmem>>, vector<1x16xf32>,
      %get3A_40 = vector.shape_cast %get3A_39 : vector<1x16xf32> to vector<16xf32>
      %get3A_41 = arith.constant 6 : i32
      %get3A_42 = arith.index_cast %get3A_41 : i32 to index
      %get3A_43 = arith.index_cast %mul3A_11 : i32 to index
      %get3A_44 = tpu.vector_load %arg7[%get3A_42, %get3A_43] {strides = array<i32>} : memref<8x1024xf32, #tpu.memory_space<vmem>>, vector<1x16xf32>,
      %get3A_45 = vector.shape_cast %get3A_44 : vector<1x16xf32> to vector<16xf32>
      %get3A_46 = arith.constant 7 : i32
      %get3A_47 = arith.index_cast %get3A_46 : i32 to index
      %get3A_48 = arith.index_cast %mul3A_11 : i32 to index
      %get3A_49 = tpu.vector_load %arg7[%get3A_47, %get3A_48] {strides = array<i32>} : memref<8x1024xf32, #tpu.memory_space<vmem>>, vector<1x16xf32>,
      %get3A_50 = vector.shape_cast %get3A_49 : vector<1x16xf32> to vector<16xf32>
      %max3A = arith.maximumf %get3A_15, %get3A_20 : vector<16xf32>
      %max3A_51 = arith.maximumf %max3A, %get3A_25 : vector<16xf32>
      %max3A_52 = arith.maximumf %max3A_51, %get3A_30 : vector<16xf32>
      %max3A_53 = arith.maximumf %max3A_52, %get3A_35 : vector<16xf32>
      %max3A_54 = arith.maximumf %max3A_53, %get3A_40 : vector<16xf32>
      %max3A_55 = arith.maximumf %max3A_54, %get3A_45 : vector<16xf32>
      %max3A_56 = arith.maximumf %max3A_55, %get3A_50 : vector<16xf32>
      %broadcast_in_dim3A_57 = arith.constant 7 : i32
      %broadcast_in_dim3A_58 = vector.broadcast %broadcast_in_dim3A_57 : i32 to vector<16xi32>
      %eq3A = arith.cmpf oeq, %get3A_45, %max3A_56 : vector<16xf32>
      %broadcast_in_dim3A_59 = arith.constant 6 : i32
      %broadcast_in_dim3A_60 = vector.broadcast %broadcast_in_dim3A_59 : i32 to vector<16xi32>
      %select_n3A = arith.select %eq3A, %broadcast_in_dim3A_60, %broadcast_in_dim3A_58 : vector<16xi1>, vector<16xi32>
      %eq3A_61 = arith.cmpf oeq, %get3A_40, %max3A_56 : vector<16xf32>
      %broadcast_in_dim3A_62 = arith.constant 5 : i32
      %broadcast_in_dim3A_63 = vector.broadcast %broadcast_in_dim3A_62 : i32 to vector<16xi32>
      %select_n3A_64 = arith.select %eq3A_61, %broadcast_in_dim3A_63, %select_n3A : vector<16xi1>, vector<16xi32>
      %eq3A_65 = arith.cmpf oeq, %get3A_35, %max3A_56 : vector<16xf32>
      %broadcast_in_dim3A_66 = arith.constant 4 : i32
      %broadcast_in_dim3A_67 = vector.broadcast %broadcast_in_dim3A_66 : i32 to vector<16xi32>
      %select_n3A_68 = arith.select %eq3A_65, %broadcast_in_dim3A_67, %select_n3A_64 : vector<16xi1>, vector<16xi32>
      %eq3A_69 = arith.cmpf oeq, %get3A_30, %max3A_56 : vector<16xf32>
      %broadcast_in_dim3A_70 = arith.constant 3 : i32
      %broadcast_in_dim3A_71 = vector.broadcast %broadcast_in_dim3A_70 : i32 to vector<16xi32>
      %select_n3A_72 = arith.select %eq3A_69, %broadcast_in_dim3A_71, %select_n3A_68 : vector<16xi1>, vector<16xi32>
      %eq3A_73 = arith.cmpf oeq, %get3A_25, %max3A_56 : vector<16xf32>
      %broadcast_in_dim3A_74 = arith.constant 2 : i32
      %broadcast_in_dim3A_75 = vector.broadcast %broadcast_in_dim3A_74 : i32 to vector<16xi32>
      %select_n3A_76 = arith.select %eq3A_73, %broadcast_in_dim3A_75, %select_n3A_72 : vector<16xi1>, vector<16xi32>
      %eq3A_77 = arith.cmpf oeq, %get3A_20, %max3A_56 : vector<16xf32>
      %broadcast_in_dim3A_78 = arith.constant 1 : i32
      %broadcast_in_dim3A_79 = vector.broadcast %broadcast_in_dim3A_78 : i32 to vector<16xi32>
      %select_n3A_80 = arith.select %eq3A_77, %broadcast_in_dim3A_79, %select_n3A_76 : vector<16xi1>, vector<16xi32>
      %eq3A_81 = arith.cmpf oeq, %get3A_15, %max3A_56 : vector<16xf32>
      %broadcast_in_dim3A_82 = arith.constant 0 : i32
      %broadcast_in_dim3A_83 = vector.broadcast %broadcast_in_dim3A_82 : i32 to vector<16xi32>
      %select_n3A_84 = arith.select %eq3A_81, %broadcast_in_dim3A_83, %select_n3A_80 : vector<16xi1>, vector<16xi32>
      %eq3A_85 = arith.constant 0 : i32
      %eq3A_86 = vector.broadcast %eq3A_85 : i32 to vector<16xi32>
      %eq3A_87 = arith.cmpi eq, %select_n3A_84, %eq3A_86 : vector<16xi32>
      %select_n3A_88 = arith.select %eq3A_87, %broadcast_in_dim3A_3, %get3A_15 : vector<16xi1>, vector<16xf32>
      %eq3A_89 = arith.constant 1 : i32
      %eq3A_90 = vector.broadcast %eq3A_89 : i32 to vector<16xi32>
      %eq3A_91 = arith.cmpi eq, %select_n3A_84, %eq3A_90 : vector<16xi32>
      %select_n3A_92 = arith.select %eq3A_91, %broadcast_in_dim3A_3, %get3A_20 : vector<16xi1>, vector<16xf32>
      %eq3A_93 = arith.constant 2 : i32
      %eq3A_94 = vector.broadcast %eq3A_93 : i32 to vector<16xi32>
      %eq3A_95 = arith.cmpi eq, %select_n3A_84, %eq3A_94 : vector<16xi32>
      %select_n3A_96 = arith.select %eq3A_95, %broadcast_in_dim3A_3, %get3A_25 : vector<16xi1>, vector<16xf32>
      %eq3A_97 = arith.constant 3 : i32
      %eq3A_98 = vector.broadcast %eq3A_97 : i32 to vector<16xi32>
      %eq3A_99 = arith.cmpi eq, %select_n3A_84, %eq3A_98 : vector<16xi32>
      %select_n3A_100 = arith.select %eq3A_99, %broadcast_in_dim3A_3, %get3A_30 : vector<16xi1>, vector<16xf32>
      %eq3A_101 = arith.constant 4 : i32
      %eq3A_102 = vector.broadcast %eq3A_101 : i32 to vector<16xi32>
      %eq3A_103 = arith.cmpi eq, %select_n3A_84, %eq3A_102 : vector<16xi32>
      %select_n3A_104 = arith.select %eq3A_103, %broadcast_in_dim3A_3, %get3A_35 : vector<16xi1>, vector<16xf32>
      %eq3A_105 = arith.constant 5 : i32
      %eq3A_106 = vector.broadcast %eq3A_105 : i32 to vector<16xi32>
      %eq3A_107 = arith.cmpi eq, %select_n3A_84, %eq3A_106 : vector<16xi32>
      %select_n3A_108 = arith.select %eq3A_107, %broadcast_in_dim3A_3, %get3A_40 : vector<16xi1>, vector<16xf32>
      %eq3A_109 = arith.constant 6 : i32
      %eq3A_110 = vector.broadcast %eq3A_109 : i32 to vector<16xi32>
      %eq3A_111 = arith.cmpi eq, %select_n3A_84, %eq3A_110 : vector<16xi32>
      %select_n3A_112 = arith.select %eq3A_111, %broadcast_in_dim3A_3, %get3A_45 : vector<16xi1>, vector<16xf32>
      %eq3A_113 = arith.constant 7 : i32
      %eq3A_114 = vector.broadcast %eq3A_113 : i32 to vector<16xi32>
      %eq3A_115 = arith.cmpi eq, %select_n3A_84, %eq3A_114 : vector<16xi32>
      %select_n3A_116 = arith.select %eq3A_115, %broadcast_in_dim3A_3, %get3A_50 : vector<16xi1>, vector<16xf32>
      %max3A_117 = arith.maximumf %select_n3A_88, %select_n3A_92 : vector<16xf32>
      %max3A_118 = arith.maximumf %max3A_117, %select_n3A_96 : vector<16xf32>
      %max3A_119 = arith.maximumf %max3A_118, %select_n3A_100 : vector<16xf32>
      %max3A_120 = arith.maximumf %max3A_119, %select_n3A_104 : vector<16xf32>
      %max3A_121 = arith.maximumf %max3A_120, %select_n3A_108 : vector<16xf32>
      %max3A_122 = arith.maximumf %max3A_121, %select_n3A_112 : vector<16xf32>
      %max3A_123 = arith.maximumf %max3A_122, %select_n3A_116 : vector<16xf32>
      %broadcast_in_dim3A_124 = arith.constant 7 : i32
      %broadcast_in_dim3A_125 = vector.broadcast %broadcast_in_dim3A_124 : i32 to vector<16xi32>
      %eq3A_126 = arith.cmpf oeq, %select_n3A_112, %max3A_123 : vector<16xf32>
      %broadcast_in_dim3A_127 = arith.constant 6 : i32
      %broadcast_in_dim3A_128 = vector.broadcast %broadcast_in_dim3A_127 : i32 to vector<16xi32>
      %select_n3A_129 = arith.select %eq3A_126, %broadcast_in_dim3A_128, %broadcast_in_dim3A_125 : vector<16xi1>, vector<16xi32>
      %eq3A_130 = arith.cmpf oeq, %select_n3A_108, %max3A_123 : vector<16xf32>
      %broadcast_in_dim3A_131 = arith.constant 5 : i32
      %broadcast_in_dim3A_132 = vector.broadcast %broadcast_in_dim3A_131 : i32 to vector<16xi32>
      %select_n3A_133 = arith.select %eq3A_130, %broadcast_in_dim3A_132, %select_n3A_129 : vector<16xi1>, vector<16xi32>
      %eq3A_134 = arith.cmpf oeq, %select_n3A_104, %max3A_123 : vector<16xf32>
      %broadcast_in_dim3A_135 = arith.constant 4 : i32
      %broadcast_in_dim3A_136 = vector.broadcast %broadcast_in_dim3A_135 : i32 to vector<16xi32>
      %select_n3A_137 = arith.select %eq3A_134, %broadcast_in_dim3A_136, %select_n3A_133 : vector<16xi1>, vector<16xi32>
      %eq3A_138 = arith.cmpf oeq, %select_n3A_100, %max3A_123 : vector<16xf32>
      %broadcast_in_dim3A_139 = arith.constant 3 : i32
      %broadcast_in_dim3A_140 = vector.broadcast %broadcast_in_dim3A_139 : i32 to vector<16xi32>
      %select_n3A_141 = arith.select %eq3A_138, %broadcast_in_dim3A_140, %select_n3A_137 : vector<16xi1>, vector<16xi32>
      %eq3A_142 = arith.cmpf oeq, %select_n3A_96, %max3A_123 : vector<16xf32>
      %broadcast_in_dim3A_143 = arith.constant 2 : i32
      %broadcast_in_dim3A_144 = vector.broadcast %broadcast_in_dim3A_143 : i32 to vector<16xi32>
      %select_n3A_145 = arith.select %eq3A_142, %broadcast_in_dim3A_144, %select_n3A_141 : vector<16xi1>, vector<16xi32>
      %eq3A_146 = arith.cmpf oeq, %select_n3A_92, %max3A_123 : vector<16xf32>
      %broadcast_in_dim3A_147 = arith.constant 1 : i32
      %broadcast_in_dim3A_148 = vector.broadcast %broadcast_in_dim3A_147 : i32 to vector<16xi32>
      %select_n3A_149 = arith.select %eq3A_146, %broadcast_in_dim3A_148, %select_n3A_145 : vector<16xi1>, vector<16xi32>
      %eq3A_150 = arith.cmpf oeq, %select_n3A_88, %max3A_123 : vector<16xf32>
      %broadcast_in_dim3A_151 = arith.constant 0 : i32
      %broadcast_in_dim3A_152 = vector.broadcast %broadcast_in_dim3A_151 : i32 to vector<16xi32>
      %select_n3A_153 = arith.select %eq3A_150, %broadcast_in_dim3A_152, %select_n3A_149 : vector<16xi1>, vector<16xi32>
      %swap3A = arith.index_cast %mul3A_11 : i32 to index
      %swap3A_154 = tpu.vector_load %arg8[%swap3A] {strides = array<i32>} : memref<1024xi32, #tpu.memory_space<vmem>>, vector<16xi32>,
      %swap3A_155 = vector.shape_cast %swap3A_154 : vector<16xi32> to vector<16xi32>
      %swap3A_156 = vector.shape_cast %select_n3A_84 : vector<16xi32> to vector<16xi32>
      tpu.vector_store %arg8[%swap3A], %swap3A_156 {strides = array<i32>} : memref<1024xi32, #tpu.memory_space<vmem>>, vector<16xi32>,
      %swap3A_157 = arith.index_cast %mul3A_11 : i32 to index
      %swap3A_158 = tpu.vector_load %arg9[%swap3A_157] {strides = array<i32>} : memref<1024xi32, #tpu.memory_space<vmem>>, vector<16xi32>,
      %swap3A_159 = vector.shape_cast %swap3A_158 : vector<16xi32> to vector<16xi32>
      %swap3A_160 = vector.shape_cast %select_n3A_153 : vector<16xi32> to vector<16xi32>
      tpu.vector_store %arg9[%swap3A_157], %swap3A_160 {strides = array<i32>} : memref<1024xi32, #tpu.memory_space<vmem>>, vector<16xi32>,
      %swap3A_161 = arith.index_cast %mul3A_11 : i32 to index
      %swap3A_162 = tpu.vector_load %arg10[%swap3A_161] {strides = array<i32>} : memref<1024xf32, #tpu.memory_space<vmem>>, vector<16xf32>,
      %swap3A_163 = vector.shape_cast %swap3A_162 : vector<16xf32> to vector<16xf32>
      %swap3A_164 = vector.shape_cast %max3A_56 : vector<16xf32> to vector<16xf32>
      tpu.vector_store %arg10[%swap3A_161], %swap3A_164 {strides = array<i32>} : memref<1024xf32, #tpu.memory_space<vmem>>, vector<16xf32>,
      %swap3A_165 = arith.index_cast %mul3A_11 : i32 to index
      %swap3A_166 = tpu.vector_load %arg11[%swap3A_165] {strides = array<i32>} : memref<1024xf32, #tpu.memory_space<vmem>>, vector<16xf32>,
      %swap3A_167 = vector.shape_cast %swap3A_166 : vector<16xf32> to vector<16xf32>
      %swap3A_168 = vector.shape_cast %max3A_123 : vector<16xf32> to vector<16xf32>
      tpu.vector_store %arg11[%swap3A_165], %swap3A_168 {strides = array<i32>} : memref<1024xf32, #tpu.memory_space<vmem>>, vector<16xf32>,
    }
    %scan3A_8 = arith.constant 64 : i32
    "tpu.region"() ({
      %run_scoped3A = tpu.sem_alloc : memref<!tpu.dma_semaphore, #tpu.memory_space<semaphore_mem>>
      %dma_start3A = tpu.memref_slice %arg3[%mul3A_2] : memref<32768xi32, #tpu.memory_space<hbm>> -> memref<1024xi32, #tpu.memory_space<hbm>>
      %dma_start3A_9 = tpu.memref_slice %arg3[%mul3A_2] : memref<32768xi32, #tpu.memory_space<hbm>> -> memref<1024xi32, #tpu.memory_space<hbm>>
      tpu.enqueue_dma source(%arg8 : memref<1024xi32, #tpu.memory_space<vmem>>) target(%dma_start3A_9 : memref<1024xi32, #tpu.memory_space<hbm>>) target_semaphore(%run_scoped3A : memref<!tpu.dma_semaphore, #tpu.memory_space<semaphore_mem>>)
      %dma_wait3A = tpu.memref_slice %arg3[%mul3A_2] : memref<32768xi32, #tpu.memory_space<hbm>> -> memref<1024xi32, #tpu.memory_space<hbm>>
      %dma_wait3A_10 = tpu.memref_slice %arg3[%mul3A_2] : memref<32768xi32, #tpu.memory_space<hbm>> -> memref<1024xi32, #tpu.memory_space<hbm>>
      tpu.wait_dma2 semaphore(%run_scoped3A : memref<!tpu.dma_semaphore, #tpu.memory_space<semaphore_mem>>) src(%arg8 : memref<1024xi32, #tpu.memory_space<vmem>>) dst(%dma_wait3A_10 : memref<1024xi32, #tpu.memory_space<hbm>>)
      tpu.yield
    }) : () -> ()
    "tpu.region"() ({
      %run_scoped3A = tpu.sem_alloc : memref<!tpu.dma_semaphore, #tpu.memory_space<semaphore_mem>>
      %dma_start3A = tpu.memref_slice %arg4[%mul3A_2] : memref<32768xi32, #tpu.memory_space<hbm>> -> memref<1024xi32, #tpu.memory_space<hbm>>
      %dma_start3A_9 = tpu.memref_slice %arg4[%mul3A_2] : memref<32768xi32, #tpu.memory_space<hbm>> -> memref<1024xi32, #tpu.memory_space<hbm>>
      tpu.enqueue_dma source(%arg9 : memref<1024xi32, #tpu.memory_space<vmem>>) target(%dma_start3A_9 : memref<1024xi32, #tpu.memory_space<hbm>>) target_semaphore(%run_scoped3A : memref<!tpu.dma_semaphore, #tpu.memory_space<semaphore_mem>>)
      %dma_wait3A = tpu.memref_slice %arg4[%mul3A_2] : memref<32768xi32, #tpu.memory_space<hbm>> -> memref<1024xi32, #tpu.memory_space<hbm>>
      %dma_wait3A_10 = tpu.memref_slice %arg4[%mul3A_2] : memref<32768xi32, #tpu.memory_space<hbm>> -> memref<1024xi32, #tpu.memory_space<hbm>>
      tpu.wait_dma2 semaphore(%run_scoped3A : memref<!tpu.dma_semaphore, #tpu.memory_space<semaphore_mem>>) src(%arg9 : memref<1024xi32, #tpu.memory_space<vmem>>) dst(%dma_wait3A_10 : memref<1024xi32, #tpu.memory_space<hbm>>)
      tpu.yield
    }) : () -> ()
    "tpu.region"() ({
      %run_scoped3A = tpu.sem_alloc : memref<!tpu.dma_semaphore, #tpu.memory_space<semaphore_mem>>
      %dma_start3A = tpu.memref_slice %arg5[%mul3A_2] : memref<32768xf32, #tpu.memory_space<hbm>> -> memref<1024xf32, #tpu.memory_space<hbm>>
      %dma_start3A_9 = tpu.memref_slice %arg5[%mul3A_2] : memref<32768xf32, #tpu.memory_space<hbm>> -> memref<1024xf32, #tpu.memory_space<hbm>>
      tpu.enqueue_dma source(%arg10 : memref<1024xf32, #tpu.memory_space<vmem>>) target(%dma_start3A_9 : memref<1024xf32, #tpu.memory_space<hbm>>) target_semaphore(%run_scoped3A : memref<!tpu.dma_semaphore, #tpu.memory_space<semaphore_mem>>)
      %dma_wait3A = tpu.memref_slice %arg5[%mul3A_2] : memref<32768xf32, #tpu.memory_space<hbm>> -> memref<1024xf32, #tpu.memory_space<hbm>>
      %dma_wait3A_10 = tpu.memref_slice %arg5[%mul3A_2] : memref<32768xf32, #tpu.memory_space<hbm>> -> memref<1024xf32, #tpu.memory_space<hbm>>
      tpu.wait_dma2 semaphore(%run_scoped3A : memref<!tpu.dma_semaphore, #tpu.memory_space<semaphore_mem>>) src(%arg10 : memref<1024xf32, #tpu.memory_space<vmem>>) dst(%dma_wait3A_10 : memref<1024xf32, #tpu.memory_space<hbm>>)
      tpu.yield
    }) : () -> ()
    "tpu.region"() ({
      %run_scoped3A = tpu.sem_alloc : memref<!tpu.dma_semaphore, #tpu.memory_space<semaphore_mem>>
      %dma_start3A = tpu.memref_slice %arg6[%mul3A_2] : memref<32768xf32, #tpu.memory_space<hbm>> -> memref<1024xf32, #tpu.memory_space<hbm>>
      %dma_start3A_9 = tpu.memref_slice %arg6[%mul3A_2] : memref<32768xf32, #tpu.memory_space<hbm>> -> memref<1024xf32, #tpu.memory_space<hbm>>
      tpu.enqueue_dma source(%arg11 : memref<1024xf32, #tpu.memory_space<vmem>>) target(%dma_start3A_9 : memref<1024xf32, #tpu.memory_space<hbm>>) target_semaphore(%run_scoped3A : memref<!tpu.dma_semaphore, #tpu.memory_space<semaphore_mem>>)
      %dma_wait3A = tpu.memref_slice %arg6[%mul3A_2] : memref<32768xf32, #tpu.memory_space<hbm>> -> memref<1024xf32, #tpu.memory_space<hbm>>
      %dma_wait3A_10 = tpu.memref_slice %arg6[%mul3A_2] : memref<32768xf32, #tpu.memory_space<hbm>> -> memref<1024xf32, #tpu.memory_space<hbm>>
      tpu.wait_dma2 semaphore(%run_scoped3A : memref<!tpu.dma_semaphore, #tpu.memory_space<semaphore_mem>>) src(%arg11 : memref<1024xf32, #tpu.memory_space<vmem>>) dst(%dma_wait3A_10 : memref<1024xf32, #tpu.memory_space<hbm>>)
      tpu.yield
    }) : () -> ()
    return
  }
}

module attributes {stable_mosaic.version = 14 : i64} {
  func.func @_tc_scores_body(%arg0: i32, %arg1: memref<8x2048xf32, #tpu.memory_space<vmem>>, %arg2: memref<2048x2048xf32, #tpu.memory_space<vmem>>, %arg3: memref<8x2048xf32, #tpu.memory_space<vmem>>) attributes {dimension_semantics = [#tpu.dimension_semantics<arbitrary>], iteration_bounds = array<i64: 16>, scalar_prefetch = 0 : i64, scratch_operands = 0 : i64, tpu.core_type = #tpu.core_type<tc>, window_params = [{pipeline_mode = #tpu.pipeline_mode<synchronous>, transform_indices = @transform_0, window_bounds = array<i64: 8, 2048>}, {transform_indices = @transform_1, window_bounds = array<i64: 2048, 2048>}, {transform_indices = @transform_2, window_bounds = array<i64: 8, 2048>}]} {
    %get3A = arith.constant 0 : index
    %get3A_0 = arith.constant 0 : index
    %get3A_1 = vector.load %arg1[%get3A, %get3A_0] : memref<8x2048xf32, #tpu.memory_space<vmem>>, vector<8x2048xf32>
    %get3A_2 = arith.constant 0 : index
    %get3A_3 = arith.constant 0 : index
    %get3A_4 = vector.load %arg2[%get3A_2, %get3A_3] : memref<2048x2048xf32, #tpu.memory_space<vmem>>, vector<2048x2048xf32>
    %dot_general3A = arith.constant dense<0.000000e+00> : vector<8x2048xf32>
    %dot_general3A_5 = tpu.matmul %get3A_1, %get3A_4, %dot_general3A {dimension_numbers = #tpu.dot_dimension_numbers<[1], [1], [0], [0], [0, 0, 1, 0], [], []>, transpose_lhs_hint = false} : vector<8x2048xf32>, vector<2048x2048xf32>, vector<8x2048xf32> -> vector<8x2048xf32>
    %swap3A = arith.constant 0 : index
    %swap3A_6 = arith.constant 0 : index
    %swap3A_7 = vector.load %arg3[%swap3A, %swap3A_6] : memref<8x2048xf32, #tpu.memory_space<vmem>>, vector<8x2048xf32>
    tpu.vector_store %arg3[%swap3A, %swap3A_6], %dot_general3A_5 {strides = array<i32>} : memref<8x2048xf32, #tpu.memory_space<vmem>>, vector<8x2048xf32>,
    return
  }
  func.func @transform_0(%arg0: i32) -> (i32, i32) {
    %c0_i32 = arith.constant 0 : i32
    %c0_i32_0 = arith.constant 0 : i32
    %c0_i32_1 = arith.constant 0 : i32
    return %c0_i32, %c0_i32_0 : i32, i32
  }
  func.func @transform_1(%arg0: i32) -> (i32, i32) {
    %c0_i32 = arith.constant 0 : i32
    %c0_i32_0 = arith.constant 0 : i32
    return %arg0, %c0_i32 : i32, i32
  }
  func.func @transform_2(%arg0: i32) -> (i32, i32) {
    %c0_i32 = arith.constant 0 : i32
    %c0_i32_0 = arith.constant 0 : i32
    return %c0_i32, %arg0 : i32, i32
  }
}

</mosaic_0001>

<sc_bundles>
// kernel: kernel.4.cloned.1.call-start
scs
__scs_entry_jumppad:
0x0: {  	(pc) =	sbr.rel $0x88, $3  }
0x1: {  	(tag) =	ssettag $0x0;
	lr =	simm.s32 $0x1  }
0x2: {  	[smem:$0x3F9F] =	sst lr;
	_ =	strace $0xD0000000  }
0x3: {  	_ = 	snop  }
0x4: {  	_ = 	snop  }
0x5: {  	_ = 	snop  }
0x6: {  	_ = 	snop  }
0x7: {  	_ = 	snop  }
__scs_overlays_trampoline_lowered:
0x8: {  	[smem:$0x3FAE] =	sst s0  }
0x9: {  	[smem:$0x3FAF] =	sst s1  }
0xa: {  	[smem:$0x3FB0] =	sst s2  }
0xb: {  	[smem:$0x3FB1] =	sst s3  }
0xc: {  	[smem:$0x3FB2] =	sst s4  }
0xd: {  	[smem:$0x3FB3] =	sst s5  }
0xe: {  	[smem:$0x3FB4] =	sst s6  }
0xf: {  	[smem:$0x3FB5] =	sst s7  }
0x10: {  	[smem:$0x3FB6] =	sst s8  }
0x11: {  	[smem:$0x3FB7] =	sst s9;
	s0 =	simm.s32 @!p0 $0x0  }
0x12: {  	s1 =	sld [smem:$0x3F9D];
	s0 =	simm.s32 @p0 $0x1  }
0x13: {  	[smem:$0x3FB8] =	sst s0;
	s0 =	simm.s32 @!p1 $0x0  }
0x14: {  	s2 =	sld [smem:$0x3F9C];
	s0 =	simm.s32 @p1 $0x1  }
0x15: {  	[smem:$0x3FB9] =	sst s0;
	s0 =	simm.s32 @!p2 $0x0  }
0x16: {  	s3 =	sld [smem:$0x3FDB];
	s0 =	simm.s32 @p2 $0x1  }
0x17: {  	s4 =	simm.s32 $0x1BF5;
	[smem:$0x3FBB] =	sst s0  }
0x18: {  	s0 =	sld [smem:$0x3F9E];
	_ =	swait.ge [sflag:s4], $0x0  }
0x19: {  	s7 =	sld [smem:$0x3F9F]  }
0x1a: {  	s8 =	sadd.s32 $0xFFFFE003, lr  }
0x1b: {  	s9 =	sadd.s32 $0xFFFFFEF7, lr;
	s5 =	simm.s32 $0xFFFFFFFF;
	p2 =	slt.u32 s8, $0xFFFFF086  }
0x1c: {  	p1 =	slt.u32 s9, $0xF7A;
	s5 =	simm.s32 @!p2 $0x0  }
0x1d: {  	s5 =	simm.s32 @p1 $0x1;
	p0 =	seq.s32 s7, s2  }
0x1e: {  	s7 =	smul.u32 @!p0 $0xF7A, s2;
	p2 =	seq.s32 @!p0 s5, $0x0  }
0x1f: {  	s9 =	smul.u32 $0xF7A, s1;
	s8 =	simm.s32 @!p0 $0x1BF5;
	p2 =	por !p2, p0  }
0x20: {  	[sflag:s8] =	ssyncset.s32 @!p0 $0xFFFFF086;
	s6 =	sadd.s32 @!p0 s3, s7;
	s7 =	simm.s32 @!p0 $0x108  }
0x21: {  	s3 =	sadd.s32 s3, s9;
	s6 =	sadd.s32 @!p0 $0x88, s6;
	s7 =	simm.s32 @p2 $0x1082  }
0x22: {  	[simem:s7], [sflag:s8] =	dma.local @!p0 [hbm:s6], $0xF7A  }
0x23: {  	s9 =	sor.u32 $0xD0000000, s2;
	s6 =	simm.s32 $0x108;
	_ =	swait.ge @!p0 [sflag:s8], $0x0  }
0x24: {  	s3 =	sadd.s32 $0x88, s3;
	s6 =	simm.s32 @!p1 $0x1082;
	[sflag:s4] =	ssyncset.s32 $0xFFFFF086  }
0x25: {  	[simem:s6], [sflag:s4] =	dma.local [hbm:s3], $0xF7A  }
0x26: {  	[smem:$0x3F9F] =	sst s1;
	(tag) =	ssettag s2;
	_ =	strace s9  }
0x27: {  	s1 =	sld [smem:$0x3FAF]  }
0x28: {  	s2 =	sld [smem:$0x3FB0]  }
0x29: {  	s4 =	sld [smem:$0x3FB2]  }
0x2a: {  	p0 =	seq.s32 s5, $0x0;
	s5 =	sld [smem:$0x3FB3]  }
0x2b: {  	s6 =	sld [smem:$0x3FB4]  }
0x2c: {  	s7 =	sld [smem:$0x3FB5]  }
0x2d: {  	s3 =	simm.s32 $0x108;
	s8 =	sld [smem:$0x3FB6]  }
0x2e: {  	s3 =	simm.s32 @!p0 $0x1082;
	s9 =	sld [smem:$0x3FB7]  }
0x2f: {  	lr =	sadd.s32 s0, s3;
	s0 =	sld [smem:$0x3FAE]  }
0x30: {  	s3 =	sld [smem:$0x3FB1]  }
0x31: {  	[smem:$0x3FBA] =	sst s10  }
0x32: {  	s10 =	sld [smem:$0x3FB8];
	_ =	sdelay $0x3  }
0x33: {  	p0 =	seq.s32 s10, $0x1;
	s10 =	sld [smem:$0x3FBA];
	_ =	sdelay $0x3  }
0x34: {  	[smem:$0x3FBA] =	sst s10  }
0x35: {  	s10 =	sld [smem:$0x3FB9];
	_ =	sdelay $0x3  }
0x36: {  	p1 =	seq.s32 s10, $0x1;
	s10 =	sld [smem:$0x3FBA];
	_ =	sdelay $0x3  }
0x37: {  	[smem:$0x3FBA] =	sst s10  }
0x38: {  	s10 =	sld [smem:$0x3FBB]  }
0x39: {  	_ = 	snop;
	(pc) =	sbr.ind lr, $3  }
0x3a: {  	_ = 	snop  }
0x3b: {  	_ = 	snop  }
0x3c: {  	p2 =	seq.s32 s10, $0x1;
	s10 =	sld [smem:$0x3FBA]  }
0x3d: {  	_ =	shalt  }
0x3e: {  	_ =	shalt  }
0x3f: {  	_ =	shalt  }
0x40: {  	_ =	shalt  }
0x41: {  	_ =	shalt  }
0x42: {  	_ =	shalt  }
0x43: {  	_ =	shalt  }
0x44: {  	_ =	shalt  }
0x45: {  	_ =	shalt  }
0x46: {  	_ =	shalt  }
0x47: {  	_ =	shalt  }
0x48: {  	_ =	shalt  }
0x49: {  	_ =	shalt  }
0x4a: {  	_ =	shalt  }
0x4b: {  	_ =	shalt  }
0x4c: {  	_ =	shalt  }
0x4d: {  	_ =	shalt  }
0x4e: {  	_ =	shalt  }
0x4f: {  	_ =	shalt  }
0x50: {  	_ =	shalt  }
0x51: {  	_ =	shalt  }
0x52: {  	_ =	shalt  }
0x53: {  	_ =	shalt  }
0x54: {  	_ =	shalt  }
0x55: {  	_ =	shalt  }
0x56: {  	_ =	shalt  }
0x57: {  	_ =	shalt  }
0x58: {  	_ =	shalt  }
0x59: {  	_ =	shalt  }
0x5a: {  	_ =	shalt  }
0x5b: {  	_ =	shalt  }
0x5c: {  	_ =	shalt  }
0x5d: {  	_ =	shalt  }
0x5e: {  	_ =	shalt  }
0x5f: {  	_ =	shalt  }
0x60: {  	_ =	shalt  }
0x61: {  	_ =	shalt  }
0x62: {  	_ =	shalt  }
0x63: {  	_ =	shalt  }
0x64: {  	_ =	shalt  }
0x65: {  	_ =	shalt  }
0x66: {  	_ =	shalt  }
0x67: {  	_ =	shalt  }
0x68: {  	_ =	shalt  }
0x69: {  	_ =	shalt  }
0x6a: {  	_ =	shalt  }
0x6b: {  	_ =	shalt  }
0x6c: {  	_ =	shalt  }
0x6d: {  	_ =	shalt  }
0x6e: {  	_ =	shalt  }
0x6f: {  	_ =	shalt  }
0x70: {  	_ =	shalt  }
0x71: {  	_ =	shalt  }
0x72: {  	_ =	shalt  }
0x73: {  	_ =	shalt  }
0x74: {  	_ =	shalt  }
0x75: {  	_ =	shalt  }
0x76: {  	_ =	shalt  }
0x77: {  	_ =	shalt  }
0x78: {  	_ =	shalt  }
0x79: {  	_ =	shalt  }
0x7a: {  	_ =	shalt  }
0x7b: {  	_ =	shalt  }
0x7c: {  	_ =	shalt  }
0x7d: {  	_ =	shalt  }
0x7e: {  	_ =	shalt  }
0x7f: {  	_ =	shalt  }
0x80: {  	_ =	shalt  }
0x81: {  	_ =	shalt  }
0x82: {  	_ =	shalt  }
0x83: {  	_ =	shalt  }
0x84: {  	_ =	shalt  }
0x85: {  	_ =	shalt  }
0x86: {  	_ =	shalt  }
0x87: {  	_ =	shalt  }
.Lfunc_end0:
.L_simem_size_0:
called_computation_lowered:
.L_overlay_start_0:
0x88: {  	s2 =	sld [smem:$0x3FD9]  }
0x89: {  	s3 =	sld [smem:$0x3FFE];
	_ =	sdelay $0x1  }
0x8a: {  	s1 =	srdreg.scid  }
0x8b: {  	s0 =	sand.u32 $0x1, s1  }
0x8c: {  	s14 =	sshll.u32 s0, $0xA;
	s2 =	sadd.s32 s3, s2  }
0x8d: {  	s2 =	sadd.s32 s2, s14  }
0x8e: {  	[smem:$0x3FC6] =	sst s2  }
0x8f: {  	_ = 	snop  }
0x90: {  	s2 =	sld [smem:$0x3FD0];
	_ =	sdelay $0x2  }
0x91: {  	s15 =	simm.s32 $0xA;
	s4 =	simm.s32 $0x10  }
0x92: {  	[smem:s4], [sflag:s15] =	dma.local [hbm:s2], $0x1  }
0x93: {  	_ =	swait.eq [sflag:s15], $0x1  }
0x94: {  	[sflag:s15] =	ssyncset.done $0x0  }
0x95: {  	[sflag:s15] =	ssyncadd.s32 $0xFFFFFFFF  }
0x96: {  	s16 =	sld [smem:$0x11];
	(tm) =	ssettm $0x1  }
0x97: {  	s17 =	sld [smem:$0x3FFB];
	_ =	sdelay $0x3  }
0x98: {  	_ =	strace s17  }
0x99: {  	s3 =	sld [smem:$0x3FFC];
	_ =	sdelay $0x3  }
0x9a: {  	_ =	strace s3  }
0x9b: {  	s3 =	sld [smem:$0x3FFD];
	_ =	sdelay $0x3  }
0x9c: {  	_ =	strace s3  }
0x9d: {  	_ =	strace $0x8FFFFFFF  }
0x9e: {  	s18 =	sld [smem:$0x3FDB];
	_ =	sdelay $0x1  }
0x9f: {  	s19 =	simm.s32 $_scs_section_size  }
0xa0: {  	s5 =	simm.s32 $_size__tile_overlayer_lowered;
	s6 =	simm.s32 $_tile_overlayer_lowered  }
0xa1: {  	s22 =	simm.s32 $0x1BFF;
	s21 =	sshll.u32 s6, $0x1;
	s3 =	sadd.s32 s19, s18  }
0xa2: {  	s7 =	simm.s32 $0x0;
	s20 =	sshll.u32 s5, $0x1;
	s5 =	sadd.s32 s21, s3  }
0xa3: {  	[timem:s7], [sflag:s22] =	dma.local [hbm:s5], s20  }
0xa4: {  	_ =	swait.ge [sflag:s22], s20  }
0xa5: {  	s4 =	ssub.s32 $0x0, s20;
	[sflag:s22] =	ssyncset.done $0x0  }
0xa6: {  	[sflag:s22] =	ssyncadd.s32 s4;
	_ =	sdelay $0x1  }
0xa7: {  	s23 =	simm.s32 $0x1B8B  }
0xa8: {  	_ =	swait.ge [sflag:s23], $0x1  }
0xa9: {  	[sflag:s23] =	ssyncset.done $0x0  }
0xaa: {  	s25 =	simm.s32 $0x1B8E;
	s24 =	sld [smem:$0x3FFE];
	[sflag:s23] =	ssyncadd.s32 $0xFFFFFFFF  }
0xab: {  	s26 =	simm.s32 $execute0_lowered;
	[smem:$0x3FD2] =	sst s25  }
0xac: {  	s5 =	sshll.u32 s26, $0x1;
	_ =	strace $0x80000046;
	[dreg:$0x1] =	wrdreg $0xFFFFFFFF  }
0xad: {  	s28 =	simm.s32 $_size_execute0_lowered;
	s3 =	sadd.s32 s3, s5;
	[dreg:$0x0] =	wrdreg $0x0  }
0xae: {  	s5 =	sshll.u32 s28, $0x1;
	[dreg:$0x2] =	wrdreg s3  }
0xaf: {  	[dreg:$0x3] =	wrdreg s5  }
0xb0: {  	[dreg:$0x4] =	wrdreg $0xC0  }
0xb1: {  	_ =	task [dreg:s7], $0x5FFFF  }
0xb2: {  	[dreg:$0x1] =	wrdreg $0xFFFFFFFF  }
0xb3: {  	[dreg:$0x0] =	wrdreg $0x60  }
0xb4: {  	[dreg:$0x2] =	wrdreg s24  }
0xb5: {  	[dreg:$0x3] =	wrdreg s16  }
0xb6: {  	[dreg:$0x4] =	wrdreg $0x9  }
0xb7: {  	_ =	task.clear_ibuf [dreg:s7], $0x5FFFF;
	_ =	strace $0x90000046  }
0xb8: {  	s29 =	simm.s32 $0x9;
	_ =	strace $0x80000048  }
0xb9: {  	_ =	swait.ge [sflag:s29], $0x1  }
0xba: {  	[sflag:s29] =	ssyncadd.s32 $0xFFFFFFFF  }
0xbb: {  	_ =	strace $0x90000048  }
0xbc: {  	_ =	sfence  }
0xbd: {  	s30 =	sld [smem:$0x0];
	_ =	sdelay $0x2  }
0xbe: {  	s31 =	sshll.u32 s1, $0xD;
	s1 =	sshrl.u32 s1, $0x2  }
0xbf: {  	s3 =	sand.u32 $0x4000, s31;
	s1 =	sadd.s32 s1, s30  }
0xc0: {  	s0 =	sor.u32 s3, s0;
	s1 =	sshll.u32 s1, $0x11  }
0xc1: {  	s0 =	sor.u32 s1, s0  }
0xc2: {  	s0 =	sadd.s32 $0x8F2B, s0  }
0xc3: {  	[sflag:s0] =	ssyncadd.remote.s32 $0x1  }
0xc4: {  	_ =	sfence.sel $0xFFFF  }
0xc5: {  	[dreg:$0x0] =	wrdreg $0xFFFFFFFF;
	(pc) =	sbr.abs _section_cstart, $3  }
0xc6: {  	[dreg:$0x1] =	wrdreg $0xFFFFFFFF  }
0xc7: {  	_ =	task.clear_ibuf [dreg:s7], $0x2FFFF;
	_ =	strace $0x9FFFFFFF  }
0xc8: {  	(tm) =	ssettm $0x7FFFFFFF  }
0xc9: {  	_ =	shalt  }
tec
execute0_lowered:
.L_overlay_start_1:
0x0: {  	(tag) =	ssettag $0x1  }
0x1: {  	s3 =	rddreg [dreg:$0x0]  }
0x2: {  	s4 =	rddreg [dreg:$0x1];
	s2 =	srdreg.scid  }
0x3: {  	s0 =	rddreg [dreg:$0x2];
	s1 =	stileid.u32;
	s10 =	simm.s32 $0x2000  }
0x4: {  	s11 =	simm.s32 $0x2400;
	s12 =	simm.s32 $0x2800;
	s13 =	simm.s32 $0x2C00  }
0x5: {  	s14 =	simm.s32 $0x0;
	s5 =	sand.u32 $0x1, s2;
	s2 =	simm.s32 $0x0  }
0x6: {  	s6 =	sshll.u32 s1, $0xB;
	s7 =	sshll.u32 s5, $0xA;
	[smem:$0x7FF] =	sst s2  }
0x7: {  	s5 =	ssub.s32 $0x2, s5;
	s6 =	sor.u32 s7, s6;
	_ =	strace $0x80000047  }
0x8: {  	s8 =	sshrl.u32 s5, $0x1;
	s7 =	sshrl.u32 s6, $0x3;
	s6 =	sadd.s32 s6, s3  }
0x9: {  	s8 =	ssub.s32 s5, s8;
	s9 =	sadd.s32 s7, s3;
	s3 =	sadd.s32 $0xC00, s6  }
0xa: {  	s4 =	sadd.s32 s4, s7;
	s8 =	smax.u32 s8, $0x1;
	s5 =	sadd.s32 $0x8C00, s9  }
0xb: {  	v0 =	vimm.s32 $0x7;
	s6 =	sadd.s32 $0x9C00, s9;
	s7 =	sadd.s32 $0xAC00, s9;
	s9 =	simm.s32 $0x1  }
.LBB2_1:
0xc: {  	[tilespmem:s2], [sflag:$0x1] =	stream.linear.gather [hbm4b:s3+s2], $0x2000, $0x38;
	[tilespmem:$0x3000] =	vst v63  }
0xd: {  	_ =	swait.ge [sflag:s9], $0x2000  }
0xe: {  	s15 =	sand.u32 $0x70, s2;
	s16 =	sand.u32 $0x1C00, s2;
	[sflag:s9] =	ssyncset.done $0x0  }
0xf: {  	s15 =	sor.u32 s15, s16;
	[sflag:s9] =	ssyncadd.s32 $0xFFFFE000  }
0x10: {  	v1 =	vld [tilespmem:s15+$0x0]  }
0x11: {  	v2 =	vld [tilespmem:s15+$0x80]  }
0x12: {  	v3 =	vld [tilespmem:s15+$0x100]  }
0x13: {  	v4 =	vld [tilespmem:s15+$0x180]  }
0x14: {  	v5 =	vld [tilespmem:s15+$0x200]  }
0x15: {  	v6 =	vld [tilespmem:s15+$0x280]  }
0x16: {  	v7 =	vld [tilespmem:s15+$0x300];
	v8 =	vmax.f32 v1, v2  }
0x17: {  	v9 =	vld [tilespmem:s15+$0x380];
	v8 =	vmax.f32 v8, v3  }
0x18: {  	v8 =	vmax.f32 v8, v4  }
0x19: {  	v8 =	vmax.f32 v8, v5  }
0x1a: {  	v8 =	vmax.f32 v8, v6  }
0x1b: {  	v8 =	vmax.f32 v8, v7  }
0x1c: {  	v8 =	vmax.f32 v8, v9  }
0x1d: {  	vm0 =	veq.f32 v7, v8  }
0x1e: {  	vm11 =	veq.f32 v6, v8;
	v10 =	vsel vm0, $0x6, v0  }
0x1f: {  	vm12 =	veq.f32 v5, v8;
	v10 =	vsel vm11, $0x5, v10  }
0x20: {  	vm13 =	veq.f32 v4, v8;
	v10 =	vsel vm12, $0x4, v10  }
0x21: {  	vm14 =	veq.f32 v3, v8;
	v10 =	vsel vm13, $0x3, v10  }
0x22: {  	vm15 =	veq.f32 v2, v8;
	v10 =	vsel vm14, $0x2, v10  }
0x23: {  	vm1 =	vne.f32 v1, v8;
	v10 =	vsel vm15, $0x1, v10  }
0x24: {  	vm0 =	vmand vm1, vm15;
	v10 =	vnsel vm1, $0x0, v10  }
0x25: {  	v1 =	vnsel vm1, $0xFF800000, v1;
	v2 =	vsel vm0, $0xFF800000, v2;
	vm4 =	veq.s32 v10, $0x2  }
0x26: {  	v11 =	vmax.f32 v1, v2;
	vm5 =	veq.s32 v10, $0x3;
	v3 =	vsel vm4, $0xFF800000, v3  }
0x27: {  	vm6 =	veq.s32 v10, $0x4;
	v4 =	vsel vm5, $0xFF800000, v4;
	v11 =	vmax.f32 v11, v3  }
0x28: {  	vm7 =	veq.s32 v10, $0x5;
	v5 =	vsel vm6, $0xFF800000, v5;
	v11 =	vmax.f32 v11, v4  }
0x29: {  	vm8 =	veq.s32 v10, $0x6;
	v6 =	vsel vm7, $0xFF800000, v6;
	v11 =	vmax.f32 v11, v5  }
0x2a: {  	v7 =	vsel vm8, $0xFF800000, v7;
	v11 =	vmax.f32 v11, v6  }
0x2b: {  	v11 =	vmax.f32 v11, v7  }
0x2c: {  	vm9 =	veq.s32 v10, $0x7;
	v9 =	vmax.f32 v11, v9  }
0x2d: {  	v9 =	vsel vm9, v11, v9  }
0x2e: {  	vm0 =	veq.f32 v7, v9  }
0x2f: {  	vm10 =	veq.f32 v6, v9;
	v61 =	vsel vm0, $0x6, v0  }
0x30: {  	vm11 =	veq.f32 v5, v9;
	v62 =	vsel vm10, $0x5, v61  }
0x31: {  	vm12 =	veq.f32 v4, v9;
	v63 =	vsel vm11, $0x4, v62  }
0x32: {  	vm13 =	veq.f32 v3, v9;
	v3 =	vsel vm12, $0x3, v63  }
0x33: {  	vm14 =	veq.f32 v2, v9;
	v2 =	vsel vm13, $0x2, v3  }
0x34: {  	vm15 =	veq.f32 v1, v9;
	v1 =	vsel vm14, $0x1, v2  }
0x35: {  	[tilespmem:s10+$0x0] =	vst v10;
	v1 =	vsel vm15, $0x0, v1  }
0x36: {  	s30 =	simm.s32 $0x10;
	s19 =	simm.s32 $0x80;
	[tilespmem:s11+$0x0] =	vst v1  }
0x37: {  	s31 =	sand.u32 $0x1C00, s19;
	s15 =	sand.u32 $0x70, s30;
	[tilespmem:s12+$0x0] =	vst v8  }
0x38: {  	s21 =	sor.u32 s15, s31;
	[tilespmem:s13+$0x0] =	vst v9  }
0x39: {  	s20 =	simm.s32 $0x20;
	s18 =	simm.s32 $0x2000;
	v1 =	vld [tilespmem:s21+$0x0]  }
0x3a: {  	s17 =	simm.s32 $0x2400;
	s16 =	simm.s32 $0x2800;
	s15 =	simm.s32 $0x2C00;
	v2 =	vld [tilespmem:s21+$0x80]  }
.LBB2_2:
0x3b: {  	p0 =	sne.s32 s20, $0x3F0;
	v3 =	vld [tilespmem:s21+$0x100]  }
0x3c: {  	v4 =	vld [tilespmem:s21+$0x180]  }
0x3d: {  	v5 =	vld [tilespmem:s21+$0x200]  }
0x3e: {  	v6 =	vld [tilespmem:s21+$0x280]  }
0x3f: {  	v7 =	vld [tilespmem:s21+$0x300];
	v8 =	vmax.f32 v1, v2  }
0x40: {  	v9 =	vld [tilespmem:s21+$0x380];
	v8 =	vmax.f32 v8, v3  }
0x41: {  	v8 =	vmax.f32 v8, v4  }
0x42: {  	v8 =	vmax.f32 v8, v5  }
0x43: {  	v8 =	vmax.f32 v8, v6  }
0x44: {  	v8 =	vmax.f32 v8, v7  }
0x45: {  	v8 =	vmax.f32 v8, v9  }
0x46: {  	vm0 =	veq.f32 v7, v8  }
0x47: {  	v10 =	vsel vm0, $0x6, v0;
	vm0 =	veq.f32 v6, v8  }
0x48: {  	v10 =	vsel vm0, $0x5, v10;
	vm0 =	veq.f32 v5, v8  }
0x49: {  	v10 =	vsel vm0, $0x4, v10;
	vm0 =	veq.f32 v4, v8  }
0x4a: {  	v10 =	vsel vm0, $0x3, v10;
	vm0 =	veq.f32 v3, v8  }
0x4b: {  	v10 =	vsel vm0, $0x2, v10;
	vm0 =	veq.f32 v2, v8  }
0x4c: {  	vm1 =	vne.f32 v1, v8;
	v10 =	vsel vm0, $0x1, v10  }
0x4d: {  	s18 =	sadd.s32 $0x10, s18;
	vm0 =	vmand vm1, vm0;
	v10 =	vnsel vm1, $0x0, v10  }
0x4e: {  	v1 =	vnsel vm1, $0xFF800000, v1;
	v2 =	vsel vm0, $0xFF800000, v2;
	vm0 =	veq.s32 v10, $0x2;
	[tilespmem:s18+$0x0] =	vst v10  }
0x4f: {  	v11 =	vmax.f32 v1, v2;
	v3 =	vsel vm0, $0xFF800000, v3;
	vm0 =	veq.s32 v10, $0x3  }
0x50: {  	v4 =	vsel vm0, $0xFF800000, v4;
	vm0 =	veq.s32 v10, $0x4;
	v11 =	vmax.f32 v11, v3  }
0x51: {  	v5 =	vsel vm0, $0xFF800000, v5;
	vm0 =	veq.s32 v10, $0x5;
	v11 =	vmax.f32 v11, v4  }
0x52: {  	v6 =	vsel vm0, $0xFF800000, v6;
	vm0 =	veq.s32 v10, $0x6;
	v11 =	vmax.f32 v11, v5  }
0x53: {  	v7 =	vsel vm0, $0xFF800000, v7;
	vm0 =	veq.s32 v10, $0x7;
	v10 =	vmax.f32 v11, v6  }
0x54: {  	v10 =	vmax.f32 v10, v7  }
0x55: {  	v9 =	vmax.f32 v10, v9  }
0x56: {  	v9 =	vsel vm0, v10, v9  }
0x57: {  	vm0 =	veq.f32 v7, v9;
	vm1 =	veq.f32 v6, v9;
	vm2 =	veq.f32 v5, v9  }
0x58: {  	vm3 =	veq.f32 v3, v9;
	v5 =	vsel vm0, $0x6, v0;
	vm0 =	veq.f32 v4, v9  }
0x59: {  	vm4 =	veq.f32 v1, v9;
	v3 =	vsel vm1, $0x5, v5;
	vm1 =	veq.f32 v2, v9  }
0x5a: {  	v1 =	vsel vm2, $0x4, v3  }
0x5b: {  	v1 =	vsel vm0, $0x3, v1  }
0x5c: {  	v1 =	vsel vm3, $0x2, v1  }
0x5d: {  	v1 =	vsel vm1, $0x1, v1  }
0x5e: {  	s17 =	sadd.s32 $0x10, s17;
	v1 =	vsel vm4, $0x0, v1  }
.Ltmp0:
0x5f: {  	s19 =	sadd.s32 $0x80, s19;
	s16 =	sadd.s32 $0x10, s16;
	[tilespmem:s17+$0x0] =	vst v1;
	(pc) =	sbr.rel @p0 .LBB2_2-.Ltmp0, $4  }
0x60: {  	s15 =	sadd.s32 $0x10, s15;
	s22 =	sand.u32 $0x1C00, s19;
	s21 =	sand.u32 $0x70, s20;
	[tilespmem:s16+$0x0] =	vst v8  }
0x61: {  	s21 =	sor.u32 s21, s22;
	[tilespmem:s15+$0x0] =	vst v9  }
0x62: {  	v1 =	vld [tilespmem:s21+$0x0]  }
0x63: {  	s20 =	sadd.s32 $0x10, s20;
	v2 =	vld [tilespmem:s21+$0x80]  }
0x64: {  	v3 =	vld [tilespmem:s21+$0x100]  }
0x65: {  	v4 =	vld [tilespmem:s21+$0x180]  }
0x66: {  	v5 =	vld [tilespmem:s21+$0x200]  }
0x67: {  	v6 =	vld [tilespmem:s21+$0x280]  }
0x68: {  	v7 =	vld [tilespmem:s21+$0x300];
	v8 =	vmax.f32 v1, v2  }
0x69: {  	v9 =	vld [tilespmem:s21+$0x380];
	v8 =	vmax.f32 v8, v3  }
0x6a: {  	v8 =	vmax.f32 v8, v4  }
0x6b: {  	v8 =	vmax.f32 v8, v5  }
0x6c: {  	v8 =	vmax.f32 v8, v6  }
0x6d: {  	v8 =	vmax.f32 v8, v7  }
0x6e: {  	v8 =	vmax.f32 v8, v9  }
0x6f: {  	vm0 =	veq.f32 v7, v8  }
0x70: {  	vm11 =	veq.f32 v6, v8;
	v10 =	vsel vm0, $0x6, v0  }
0x71: {  	vm12 =	veq.f32 v5, v8;
	v10 =	vsel vm11, $0x5, v10  }
0x72: {  	vm13 =	veq.f32 v4, v8;
	v10 =	vsel vm12, $0x4, v10  }
0x73: {  	vm14 =	veq.f32 v3, v8;
	v10 =	vsel vm13, $0x3, v10  }
0x74: {  	vm15 =	veq.f32 v2, v8;
	v10 =	vsel vm14, $0x2, v10  }
0x75: {  	vm1 =	vne.f32 v1, v8;
	v10 =	vsel vm15, $0x1, v10  }
0x76: {  	vm0 =	vmand vm1, vm15;
	v10 =	vnsel vm1, $0x0, v10  }
0x77: {  	v1 =	vnsel vm1, $0xFF800000, v1;
	v2 =	vsel vm0, $0xFF800000, v2;
	vm4 =	veq.s32 v10, $0x2  }
0x78: {  	v11 =	vmax.f32 v1, v2;
	vm5 =	veq.s32 v10, $0x3;
	v3 =	vsel vm4, $0xFF800000, v3  }
0x79: {  	vm6 =	veq.s32 v10, $0x4;
	v4 =	vsel vm5, $0xFF800000, v4;
	v11 =	vmax.f32 v11, v3  }
0x7a: {  	vm7 =	veq.s32 v10, $0x5;
	v5 =	vsel vm6, $0xFF800000, v5;
	v11 =	vmax.f32 v11, v4  }
0x7b: {  	vm8 =	veq.s32 v10, $0x6;
	v6 =	vsel vm7, $0xFF800000, v6;
	v11 =	vmax.f32 v11, v5  }
0x7c: {  	v7 =	vsel vm8, $0xFF800000, v7;
	v11 =	vmax.f32 v11, v6  }
0x7d: {  	v11 =	vmax.f32 v11, v7  }
0x7e: {  	vm9 =	veq.s32 v10, $0x7;
	v9 =	vmax.f32 v11, v9  }
0x7f: {  	v9 =	vsel vm9, v11, v9  }
0x80: {  	vm0 =	veq.f32 v7, v9  }
0x81: {  	vm10 =	veq.f32 v6, v9;
	v61 =	vsel vm0, $0x6, v0  }
0x82: {  	vm11 =	veq.f32 v5, v9;
	v62 =	vsel vm10, $0x5, v61  }
0x83: {  	vm12 =	veq.f32 v4, v9;
	v63 =	vsel vm11, $0x4, v62  }
0x84: {  	vm13 =	veq.f32 v3, v9;
	v3 =	vsel vm12, $0x3, v63  }
0x85: {  	vm14 =	veq.f32 v2, v9;
	v2 =	vsel vm13, $0x2, v3  }
0x86: {  	s18 =	sadd.s32 $0x10, s18;
	vm15 =	veq.f32 v1, v9;
	v1 =	vsel vm14, $0x1, v2  }
0x87: {  	s17 =	sadd.s32 $0x10, s17;
	[tilespmem:s18+$0x0] =	vst v10;
	v1 =	vsel vm15, $0x0, v1  }
0x88: {  	s16 =	sadd.s32 $0x10, s16;
	[tilespmem:s17+$0x0] =	vst v1  }
0x89: {  	s15 =	sadd.s32 $0x10, s15;
	[tilespmem:s16+$0x0] =	vst v8  }
0x8a: {  	[tilespmem:s15+$0x0] =	vst v9  }
0x8b: {  	[hbm4b:s4+s2] =	stream.linear.scatter [tilespmem:s10], [sflag:$0x1], $0x400, $0x38;
	[tilespmem:$0x3000] =	vst v63  }
0x8c: {  	_ =	swait.ge [sflag:s9], $0x400  }
0x8d: {  	[sflag:s9] =	ssyncset.done $0x0  }
0x8e: {  	[sflag:s9] =	ssyncadd.s32 $0xFFFFFC00  }
0x8f: {  	[hbm4b:s5+s2] =	stream.linear.scatter [tilespmem:s11], [sflag:$0x1], $0x400, $0x38;
	[tilespmem:$0x3000] =	vst v63  }
0x90: {  	_ =	swait.ge [sflag:s9], $0x400  }
0x91: {  	[sflag:s9] =	ssyncset.done $0x0  }
0x92: {  	[sflag:s9] =	ssyncadd.s32 $0xFFFFFC00  }
0x93: {  	[hbm4b:s6+s2] =	stream.linear.scatter [tilespmem:s12], [sflag:$0x1], $0x400, $0x38;
	[tilespmem:$0x3000] =	vst v63  }
0x94: {  	s14 =	sadd.s32 $0x1, s14;
	_ =	swait.ge [sflag:s9], $0x400  }
0x95: {  	p0 =	sne.s32 s14, s8;
	[sflag:s9] =	ssyncset.done $0x0  }
.Ltmp1:
0x96: {  	[sflag:s9] =	ssyncadd.s32 $0xFFFFFC00;
	(pc) =	sbr.rel @p0 .LBB2_1-.Ltmp1, $4  }
0x97: {  	[hbm4b:s7+s2] =	stream.linear.scatter [tilespmem:s13], [sflag:$0x1], $0x400, $0x38;
	[tilespmem:$0x3000] =	vst v63  }
0x98: {  	_ =	swait.ge [sflag:s9], $0x400  }
0x99: {  	[sflag:s9] =	ssyncset.done $0x0  }
0x9a: {  	[sflag:s9] =	ssyncadd.s32 $0xFFFFFC00  }
0x9b: {  	_ =	sfence.sel $0x180000  }
0x9c: {  	[bflag:$0x0] =	sbarrier.arrive $0xFFFF  }
0x9d: {  	p0 =	sne.s32 s1, $0x0;
	_ =	strace $0x90000047  }
0x9e: {  	s0 =	sadd.s32 @!p0 $0x100000, s0;
	[bflag:$0x2] =	sbarrier.arrive $0xFFFF  }
0x9f: {  	[sflag:s0] =	ssyncadd.tile.s32 @!p0 $0x1;
	_ =	shalt  }
.Lfunc_end2:
_tile_overlayer_lowered:
.L_overlay_start_2:
0xa0: {  	(tag) =	ssettag $0x2  }
0xa1: {  	s0 =	rddreg [dreg:$0x0];
	s2 =	stileid.u32  }
0xa2: {  	s1 =	rddreg [dreg:$0x1];
	p0 =	sne.s32 s2, $0x0  }
0xa3: {  	s3 =	rddreg [dreg:$0x2];
	[bflag:$0x3] =	sbarrier.arrive $0xFFFF;
	s2 =	simm.s32 @!p0 $0x1C01  }
0xa4: {  	[timem:s3], [sflag:s2] =	dma.local @!p0 [hbm:s0], s1  }
0xa5: {  	s0 =	simm.s32 @!p0 $0x1  }
0xa6: {  	_ =	swait.ge @!p0 [sflag:s0], s1  }
0xa7: {  	s1 =	ssub.s32 @!p0 $0x0, s1;
	[sflag:s0] =	ssyncset.done @!p0 $0x0  }
0xa8: {  	[sflag:s0] =	ssyncadd.s32 @!p0 s1  }
0xa9: {  	[bflag:$0x3] =	sbarrier.arrive $0xFFFF  }
0xaa: {  	_ =	shalt  }

</sc_bundles>
